<compile_context>
chip_gen: v7x
topology: tpu7x:2x2x1
jax: 0.10.2.dev20260603
libtpu: 0.0.44.dev20260713+nightly
codegen_flags: <defaults>
</compile_context>

<pallas_src>
import functools

import jax
import jax.numpy as jnp
import numpy as np
from jax import lax
from jax.experimental import pallas as pl
from jax.experimental.pallas import tpu as pltpu
from jax.experimental.pallas import tpu_sc as plsc

B = 4096
T = 16
D = 3
N_CODES = 1024
CODE_DIM = 32
N_TOKENS = 8
HIDDEN = 256

N_CHUNK = 1
BC = B // N_CHUNK
BB = 1024
N_TOK_CHUNK = BC * N_TOKENS
NW = 32
TOK_PER_W = N_TOK_CHUNK // NW


def _encode_kernel(x_ref, w1_ref, b1_ref, w2_ref, b2_ref, cbt_ref,
                   cbsq_ref, mavg_ref, idx_ref):
    x = x_ref[...]
    h = jnp.maximum(
        jnp.dot(x, w1_ref[...], preferred_element_type=jnp.float32)
        + b1_ref[...], 0.0)
    z = jnp.dot(h, w2_ref[...], preferred_element_type=jnp.float32) + b2_ref[...]

    mavg = mavg_ref[...]
    mu = jnp.dot(z, mavg, preferred_element_type=jnp.float32,
                 precision=jax.lax.Precision.HIGHEST)
    zc = z - mu
    var = jnp.dot(zc * zc, mavg, preferred_element_type=jnp.float32,
                  precision=jax.lax.Precision.HIGHEST)
    ze = zc * jax.lax.rsqrt(var + 1e-5)

    cbt = cbt_ref[...]
    cbsq = cbsq_ref[...]

    ds = []
    for t in range(N_TOKENS):
        zet = ze[:, t * CODE_DIM:(t + 1) * CODE_DIM]
        ds.append(cbsq - 2.0 * jnp.dot(zet, cbt,
                                       preferred_element_type=jnp.float32))
    ms = [jnp.min(d, axis=1, keepdims=True) for d in ds]
    lanes = jax.lax.broadcasted_iota(jnp.int32, (BB, N_CODES), 1)
    idx_cols = []
    for t in range(N_TOKENS):
        masked = jnp.where(ds[t] <= ms[t], lanes, N_CODES)
        idx_cols.append(jnp.min(masked, axis=1)[:, None])
    idx_ref[...] = jnp.concatenate(idx_cols, axis=1)


def _decode_kernel(zq_ref, w3_ref, b3_ref, w4_ref, b4_ref, recon_ref):
    zq = zq_ref[...]
    h2 = jnp.maximum(
        jnp.dot(zq, w3_ref[...], preferred_element_type=jnp.float32)
        + b3_ref[...], 0.0)
    recon_ref[...] = (
        jnp.dot(h2, w4_ref[...], preferred_element_type=jnp.float32)
        + b4_ref[...])


def _sc_gather(codebook, idx_flat):
    mesh = plsc.VectorSubcoreMesh(core_axis_name="c", subcore_axis_name="s")

    @functools.partial(
        pl.kernel, mesh=mesh,
        compiler_params=pltpu.CompilerParams(use_tc_tiling_on_sc=False),
        out_type=jax.ShapeDtypeStruct((N_TOK_CHUNK, CODE_DIM), jnp.float32),
        scratch_types=[
            pltpu.VMEM((TOK_PER_W,), jnp.int32),
            pltpu.VMEM((TOK_PER_W, CODE_DIM), jnp.float32),
            pltpu.SemaphoreType.DMA,
        ],
    )
    def gather_k(table_hbm, idx_hbm, out_hbm, idx_v, rows_v, sem):
        wid = lax.axis_index("s") * 2 + lax.axis_index("c")
        base = wid * TOK_PER_W
        pltpu.sync_copy(idx_hbm.at[pl.ds(base, TOK_PER_W)], idx_v)
        pltpu.async_copy(table_hbm.at[idx_v], rows_v, sem).wait()
        pltpu.sync_copy(rows_v, out_hbm.at[pl.ds(base, TOK_PER_W)])

    return gather_k(codebook, idx_flat)


@jax.jit
def _run(x2, W1, b1, W2, b2, codebook, W3, b3, W4, b4):
    cbt = codebook.T
    cbsq = jnp.sum(codebook * codebook, axis=1)[None, :]
    mavg = jnp.asarray(
        np.kron(np.eye(N_TOKENS, dtype=np.float32),
                np.full((CODE_DIM, CODE_DIM), 1.0 / CODE_DIM,
                        dtype=np.float32)))
    grid = (BC // BB,)

    def bspec(shape):
        return pl.BlockSpec(shape, lambda i: (0,) * len(shape))

    def encode(xc):
        return pl.pallas_call(
            _encode_kernel,
            grid=grid,
            in_specs=[
                pl.BlockSpec((BB, T * D), lambda i: (i, 0)),
                bspec((T * D, HIDDEN)),
                bspec((1, HIDDEN)),
                bspec((HIDDEN, N_TOKENS * CODE_DIM)),
                bspec((1, N_TOKENS * CODE_DIM)),
                bspec((CODE_DIM, N_CODES)),
                bspec((1, N_CODES)),
                bspec((N_TOKENS * CODE_DIM, N_TOKENS * CODE_DIM)),
            ],
            out_specs=pl.BlockSpec((BB, N_TOKENS), lambda i: (i, 0)),
            out_shape=jax.ShapeDtypeStruct((BC, N_TOKENS), jnp.int32),
            compiler_params=pltpu.CompilerParams(
                dimension_semantics=("arbitrary",)),
        )(xc, W1, b1[None, :], W2, b2[None, :], cbt, cbsq, mavg)

    def decode(zq2):
        return pl.pallas_call(
            _decode_kernel,
            grid=grid,
            in_specs=[
                pl.BlockSpec((BB, N_TOKENS * CODE_DIM), lambda i: (i, 0)),
                bspec((N_TOKENS * CODE_DIM, HIDDEN)),
                bspec((1, HIDDEN)),
                bspec((HIDDEN, T * D)),
                bspec((1, T * D)),
            ],
            out_specs=pl.BlockSpec((BB, T * D), lambda i: (i, 0)),
            out_shape=jax.ShapeDtypeStruct((BC, T * D), jnp.float32),
            compiler_params=pltpu.CompilerParams(
                dimension_semantics=("arbitrary",)),
        )(zq2, W3, b3[None, :], W4, b4[None, :])

    idxs = [encode(x2[c * BC:(c + 1) * BC]) for c in range(N_CHUNK)]
    zq2s = [_sc_gather(codebook, idxs[c].reshape(N_TOK_CHUNK))
            .reshape(BC, N_TOKENS * CODE_DIM) for c in range(N_CHUNK)]
    recons = [decode(zq2s[c]) for c in range(N_CHUNK)]
    recon = jnp.concatenate(recons, axis=0)
    zq2 = jnp.concatenate(zq2s, axis=0)
    idx = jnp.concatenate(idxs, axis=0)
    return recon, zq2, idx


def kernel(x, W1, b1, W2, b2, codebook, W3, b3, W4, b4):
    x2 = x.reshape(B, T * D)
    recon, zq, idx = _run(x2, W1, b1, W2, b2, codebook, W3, b3, W4, b4)
    return (recon.reshape(B, T, D),
            zq.reshape(B, N_TOKENS, CODE_DIM),
            idx)

# --- scband reference (transcript-rebuilt; emitter-appended) ---
"""Pipeline reference for scband-vqvaetime-series-39135742001822 (READ-ONLY COPY).

The authoritative reference and input builder live on the scoring server;
editing this copy changes nothing except your own understanding.
"""

import jax, jax.numpy as jnp
import numpy as np

B = 4096
T = 16
D = 3
N_CODES = 1024
CODE_DIM = 32
N_TOKENS = 8
HIDDEN = 256


def setup_inputs(seed: int = 0) -> dict:
    key = jax.random.key(seed)
    ks = jax.random.split(key, 12)
    x = jax.random.normal(ks[0], (B, T, D), dtype=jnp.float32)
    s1 = 1.0 / np.sqrt(T * D)
    W1 = jax.random.uniform(ks[1], (T * D, HIDDEN), minval=-s1, maxval=s1, dtype=jnp.float32)
    b1 = jax.random.uniform(ks[2], (HIDDEN,), minval=-s1, maxval=s1, dtype=jnp.float32)
    s2 = 1.0 / np.sqrt(HIDDEN)
    W2 = jax.random.uniform(ks[3], (HIDDEN, N_TOKENS * CODE_DIM), minval=-s2, maxval=s2, dtype=jnp.float32)
    b2 = jax.random.uniform(ks[4], (N_TOKENS * CODE_DIM,), minval=-s2, maxval=s2, dtype=jnp.float32)
    codebook = jax.random.normal(ks[5], (N_CODES, CODE_DIM), dtype=jnp.float32)
    s3 = 1.0 / np.sqrt(N_TOKENS * CODE_DIM)
    W3 = jax.random.uniform(ks[6], (N_TOKENS * CODE_DIM, HIDDEN), minval=-s3, maxval=s3, dtype=jnp.float32)
    b3 = jax.random.uniform(ks[7], (HIDDEN,), minval=-s3, maxval=s3, dtype=jnp.float32)
    s4 = 1.0 / np.sqrt(HIDDEN)
    W4 = jax.random.uniform(ks[8], (HIDDEN, T * D), minval=-s4, maxval=s4, dtype=jnp.float32)
    b4 = jax.random.uniform(ks[9], (T * D,), minval=-s4, maxval=s4, dtype=jnp.float32)
    return {"x": x, "W1": W1, "b1": b1, "W2": W2, "b2": b2, "codebook": codebook, "W3": W3, "b3": b3, "W4": W4, "b4": b4}


def reference(x, W1, b1, W2, b2, codebook, W3, b3, W4, b4):
    # encode
    h = jax.nn.relu(x.reshape(x.shape[0], -1) @ W1 + b1)
    z = (h @ W2 + b2).reshape(x.shape[0], N_TOKENS, CODE_DIM)
    # layer_norm over last dim, no affine (matches F.layer_norm with eps=1e-5)
    mu = jnp.mean(z, axis=-1, keepdims=True)
    var = jnp.mean((z - mu) ** 2, axis=-1, keepdims=True)
    z_e = (z - mu) / jnp.sqrt(var + 1e-5)
    # vector quantize: squared L2 distances (expanded form, mathematically identical
    # to (z_e - codebook)^2 summed over code_dim)
    d = (
        jnp.sum(z_e ** 2, axis=-1, keepdims=True)
        - 2.0 * jnp.einsum("btd,nd->btn", z_e, codebook)
        + jnp.sum(codebook ** 2, axis=-1)
    )
    indices = jnp.argmin(d, axis=-1)
    z_q_raw = jnp.take(codebook, indices, axis=0)
    # straight-through estimator
    z_q = z_e + jax.lax.stop_gradient(z_q_raw - z_e)
    # decode
    h2 = jax.nn.relu(z_q.reshape(z_q.shape[0], -1) @ W3 + b3)
    recon = (h2 @ W4 + b4).reshape(z_q.shape[0], T, D)
    return (recon, z_q, indices)

if __name__ == "__main__":
    import jax
    _d = setup_inputs()
    print(jax.jit(kernel)(*tuple(_d.values())))

</pallas_src>

<mosaic_0001>
#map = affine_map<(d0, d1) -> (0, 0)>
#map1 = affine_map<(d0, d1) -> (0)>
module attributes {stable_mosaic.version = 14 : i64} {
  func.func @gather_k(%arg0: i32, %arg1: i32, %arg2: memref<1024x32xf32, #tpu.memory_space<hbm>>, %arg3: memref<32768xi32, #tpu.memory_space<hbm>>, %arg4: memref<32768x32xf32, #tpu.memory_space<hbm>>, %arg5: memref<1024xi32, #tpu.memory_space<vmem>>, %arg6: memref<1024x32xf32, #tpu.memory_space<vmem>>, %arg7: memref<!tpu.dma_semaphore, #tpu.memory_space<semaphore_mem>>) attributes {dimension_semantics = [#tpu.dimension_semantics<core_parallel>, #tpu.dimension_semantics<subcore_parallel>], iteration_bounds = array<i64: 2, 16>, scalar_prefetch = 0 : i64, scratch_operands = 3 : i64, tpu.core_type = #tpu.core_type<sc_vector_subcore>, window_params = [{transform_indices = #map}, {transform_indices = #map1}, {transform_indices = #map}]} {
    %mul3A = arith.constant 2 : i32
    %mul3A_0 = arith.muli %arg1, %mul3A : i32
    %add3A = arith.addi %mul3A_0, %arg0 : i32
    %mul3A_1 = arith.constant 1024 : i32
    %mul3A_2 = arith.muli %add3A, %mul3A_1 : i32
    "tpu.region"() ({
      %run_scoped3A = tpu.sem_alloc : memref<!tpu.dma_semaphore, #tpu.memory_space<semaphore_mem>>
      %dma_start3A_7 = tpu.memref_slice %arg3[%mul3A_2] : memref<32768xi32, #tpu.memory_space<hbm>> -> memref<1024xi32, #tpu.memory_space<hbm>>
      %dma_start3A_8 = tpu.memref_slice %arg3[%mul3A_2] : memref<32768xi32, #tpu.memory_space<hbm>> -> memref<1024xi32, #tpu.memory_space<hbm>>
      tpu.enqueue_dma source(%dma_start3A_8 : memref<1024xi32, #tpu.memory_space<hbm>>) target(%arg5 : memref<1024xi32, #tpu.memory_space<vmem>>) target_semaphore(%run_scoped3A : memref<!tpu.dma_semaphore, #tpu.memory_space<semaphore_mem>>)
      %dma_wait3A_9 = tpu.memref_slice %arg3[%mul3A_2] : memref<32768xi32, #tpu.memory_space<hbm>> -> memref<1024xi32, #tpu.memory_space<hbm>>
      %dma_wait3A_10 = tpu.memref_slice %arg3[%mul3A_2] : memref<32768xi32, #tpu.memory_space<hbm>> -> memref<1024xi32, #tpu.memory_space<hbm>>
      tpu.wait_dma2 semaphore(%run_scoped3A : memref<!tpu.dma_semaphore, #tpu.memory_space<semaphore_mem>>) src(%dma_wait3A_10 : memref<1024xi32, #tpu.memory_space<hbm>>) dst(%arg5 : memref<1024xi32, #tpu.memory_space<vmem>>)
      tpu.yield
    }) : () -> ()
    %dma_start3A = arith.constant 0 : i32
    %dma_start3A_3 = arith.constant 0 : i32
    %dma_start3A_4 = tpu.memref_slice %arg2[%dma_start3A, %dma_start3A_3] : memref<1024x32xf32, #tpu.memory_space<hbm>> -> memref<1024x32xf32, #tpu.memory_space<hbm>>
    tpu.enqueue_indirect_dma source(%dma_start3A_4 : memref<1024x32xf32, #tpu.memory_space<hbm>>) target(%arg6 : memref<1024x32xf32, #tpu.memory_space<vmem>>) offsets(%arg5 : memref<1024xi32, #tpu.memory_space<vmem>>) semaphore(%arg7 : memref<!tpu.dma_semaphore, #tpu.memory_space<semaphore_mem>>)
    %dma_wait3A = arith.constant 0 : i32
    %dma_wait3A_5 = arith.constant 0 : i32
    %dma_wait3A_6 = tpu.memref_slice %arg2[%dma_wait3A, %dma_wait3A_5] : memref<1024x32xf32, #tpu.memory_space<hbm>> -> memref<1024x32xf32, #tpu.memory_space<hbm>>
    tpu.wait_indirect_dma semaphore(%arg7 : memref<!tpu.dma_semaphore, #tpu.memory_space<semaphore_mem>>) src(%dma_wait3A_6 : memref<1024x32xf32, #tpu.memory_space<hbm>>) dst(%arg6 : memref<1024x32xf32, #tpu.memory_space<vmem>>)
    "tpu.region"() ({
      %run_scoped3A = tpu.sem_alloc : memref<!tpu.dma_semaphore, #tpu.memory_space<semaphore_mem>>
      %dma_start3A_7 = arith.constant 0 : i32
      %dma_start3A_8 = tpu.memref_slice %arg4[%mul3A_2, %dma_start3A_7] : memref<32768x32xf32, #tpu.memory_space<hbm>> -> memref<1024x32xf32, #tpu.memory_space<hbm>>
      %dma_start3A_9 = arith.constant 0 : i32
      %dma_start3A_10 = tpu.memref_slice %arg4[%mul3A_2, %dma_start3A_9] : memref<32768x32xf32, #tpu.memory_space<hbm>> -> memref<1024x32xf32, #tpu.memory_space<hbm>>
      tpu.enqueue_dma source(%arg6 : memref<1024x32xf32, #tpu.memory_space<vmem>>) target(%dma_start3A_10 : memref<1024x32xf32, #tpu.memory_space<hbm>>) target_semaphore(%run_scoped3A : memref<!tpu.dma_semaphore, #tpu.memory_space<semaphore_mem>>)
      %dma_wait3A_11 = arith.constant 0 : i32
      %dma_wait3A_12 = tpu.memref_slice %arg4[%mul3A_2, %dma_wait3A_11] : memref<32768x32xf32, #tpu.memory_space<hbm>> -> memref<1024x32xf32, #tpu.memory_space<hbm>>
      %dma_wait3A_13 = arith.constant 0 : i32
      %dma_wait3A_14 = tpu.memref_slice %arg4[%mul3A_2, %dma_wait3A_13] : memref<32768x32xf32, #tpu.memory_space<hbm>> -> memref<1024x32xf32, #tpu.memory_space<hbm>>
      tpu.wait_dma2 semaphore(%run_scoped3A : memref<!tpu.dma_semaphore, #tpu.memory_space<semaphore_mem>>) src(%arg6 : memref<1024x32xf32, #tpu.memory_space<vmem>>) dst(%dma_wait3A_14 : memref<1024x32xf32, #tpu.memory_space<hbm>>)
      tpu.yield
    }) : () -> ()
    return
  }
}

module attributes {stable_mosaic.version = 14 : i64} {
  func.func @_encode_kernel(%arg0: i32, %arg1: memref<1024x48xf32, #tpu.memory_space<vmem>>, %arg2: memref<48x256xf32, #tpu.memory_space<vmem>>, %arg3: memref<1x256xf32, #tpu.memory_space<vmem>>, %arg4: memref<256x256xf32, #tpu.memory_space<vmem>>, %arg5: memref<1x256xf32, #tpu.memory_space<vmem>>, %arg6: memref<32x1024xf32, #tpu.memory_space<vmem>>, %arg7: memref<1x1024xf32, #tpu.memory_space<vmem>>, %arg8: memref<256x256xf32, #tpu.memory_space<vmem>>, %arg9: memref<1024x8xi32, #tpu.memory_space<vmem>>) attributes {dimension_semantics = [#tpu.dimension_semantics<arbitrary>], iteration_bounds = array<i64: 4>, scalar_prefetch = 0 : i64, scratch_operands = 0 : i64, tpu.core_type = #tpu.core_type<tc>, window_params = [{transform_indices = @transform_0, window_bounds = array<i64: 1024, 48>}, {pipeline_mode = #tpu.pipeline_mode<synchronous>, transform_indices = @transform_1, window_bounds = array<i64: 48, 256>}, {pipeline_mode = #tpu.pipeline_mode<synchronous>, transform_indices = @transform_2, window_bounds = array<i64: 1, 256>}, {pipeline_mode = #tpu.pipeline_mode<synchronous>, transform_indices = @transform_3, window_bounds = array<i64: 256, 256>}, {pipeline_mode = #tpu.pipeline_mode<synchronous>, transform_indices = @transform_4, window_bounds = array<i64: 1, 256>}, {pipeline_mode = #tpu.pipeline_mode<synchronous>, transform_indices = @transform_5, window_bounds = array<i64: 32, 1024>}, {pipeline_mode = #tpu.pipeline_mode<synchronous>, transform_indices = @transform_6, window_bounds = array<i64: 1, 1024>}, {pipeline_mode = #tpu.pipeline_mode<synchronous>, transform_indices = @transform_7, window_bounds = array<i64: 256, 256>}, {transform_indices = @transform_8, window_bounds = array<i64: 1024, 8>}]} {
    %get3A = arith.constant 0 : index
    %get3A_0 = arith.constant 0 : index
    %get3A_1 = vector.load %arg1[%get3A, %get3A_0] : memref<1024x48xf32, #tpu.memory_space<vmem>>, vector<1024x48xf32>
    %get3A_2 = arith.constant 0 : index
    %get3A_3 = arith.constant 0 : index
    %get3A_4 = vector.load %arg2[%get3A_2, %get3A_3] : memref<48x256xf32, #tpu.memory_space<vmem>>, vector<48x256xf32>
    %dot_general3A = arith.constant dense<0.000000e+00> : vector<1024x256xf32>
    %dot_general3A_5 = tpu.matmul %get3A_1, %get3A_4, %dot_general3A {dimension_numbers = #tpu.dot_dimension_numbers<[1], [0], [0], [1], [0, 0, 1, 1], [], []>, transpose_lhs_hint = false} : vector<1024x48xf32>, vector<48x256xf32>, vector<1024x256xf32> -> vector<1024x256xf32>
    %get3A_6 = arith.constant 0 : index
    %get3A_7 = arith.constant 0 : index
    %get3A_8 = vector.load %arg3[%get3A_6, %get3A_7] : memref<1x256xf32, #tpu.memory_space<vmem>>, vector<1x256xf32>
    %add3A = vector.broadcast %get3A_8 : vector<1x256xf32> to vector<1024x256xf32>
    %add3A_9 = arith.addf %dot_general3A_5, %add3A : vector<1024x256xf32>
    %max3A = arith.constant 0.000000e+00 : f32
    %max3A_10 = vector.broadcast %max3A : f32 to vector<1024x256xf32>
    %max3A_11 = arith.maximumf %add3A_9, %max3A_10 : vector<1024x256xf32>
    %get3A_12 = arith.constant 0 : index
    %get3A_13 = arith.constant 0 : index
    %get3A_14 = vector.load %arg4[%get3A_12, %get3A_13] : memref<256x256xf32, #tpu.memory_space<vmem>>, vector<256x256xf32>
    %dot_general3A_15 = arith.constant dense<0.000000e+00> : vector<1024x256xf32>
    %dot_general3A_16 = tpu.matmul %max3A_11, %get3A_14, %dot_general3A_15 {dimension_numbers = #tpu.dot_dimension_numbers<[1], [0], [0], [1], [0, 0, 1, 1], [], []>, transpose_lhs_hint = false} : vector<1024x256xf32>, vector<256x256xf32>, vector<1024x256xf32> -> vector<1024x256xf32>
    %get3A_17 = arith.constant 0 : index
    %get3A_18 = arith.constant 0 : index
    %get3A_19 = vector.load %arg5[%get3A_17, %get3A_18] : memref<1x256xf32, #tpu.memory_space<vmem>>, vector<1x256xf32>
    %add3A_20 = vector.broadcast %get3A_19 : vector<1x256xf32> to vector<1024x256xf32>
    %add3A_21 = arith.addf %dot_general3A_16, %add3A_20 : vector<1024x256xf32>
    %get3A_22 = arith.constant 0 : index
    %get3A_23 = arith.constant 0 : index
    %get3A_24 = vector.load %arg8[%get3A_22, %get3A_23] : memref<256x256xf32, #tpu.memory_space<vmem>>, vector<256x256xf32>
    %dot_general3A_25 = arith.constant dense<0.000000e+00> : vector<1024x256xf32>
    %dot_general3A_26 = tpu.matmul %add3A_21, %get3A_24, %dot_general3A_25 {dimension_numbers = #tpu.dot_dimension_numbers<[1], [0], [0], [1], [0, 0, 1, 1], [], []>, precision = #tpu.contract_precision<fp32>, transpose_lhs_hint = false} : vector<1024x256xf32>, vector<256x256xf32>, vector<1024x256xf32> -> vector<1024x256xf32>
    %sub3A = arith.subf %add3A_21, %dot_general3A_26 : vector<1024x256xf32>
    %mul3A = arith.mulf %sub3A, %sub3A : vector<1024x256xf32>
    %dot_general3A_27 = arith.constant dense<0.000000e+00> : vector<1024x256xf32>
    %dot_general3A_28 = tpu.matmul %mul3A, %get3A_24, %dot_general3A_27 {dimension_numbers = #tpu.dot_dimension_numbers<[1], [0], [0], [1], [0, 0, 1, 1], [], []>, precision = #tpu.contract_precision<fp32>, transpose_lhs_hint = false} : vector<1024x256xf32>, vector<256x256xf32>, vector<1024x256xf32> -> vector<1024x256xf32>
    %add3A_29 = arith.constant 9.99999974E-6 : f32
    %add3A_30 = vector.broadcast %add3A_29 : f32 to vector<1024x256xf32>
    %add3A_31 = arith.addf %dot_general3A_28, %add3A_30 : vector<1024x256xf32>
    %rsqrt3A = math.rsqrt %add3A_31 : vector<1024x256xf32>
    %mul3A_32 = arith.mulf %sub3A, %rsqrt3A : vector<1024x256xf32>
    %get3A_33 = arith.constant 0 : index
    %get3A_34 = arith.constant 0 : index
    %get3A_35 = vector.load %arg6[%get3A_33, %get3A_34] : memref<32x1024xf32, #tpu.memory_space<vmem>>, vector<32x1024xf32>
    %get3A_36 = arith.constant 0 : index
    %get3A_37 = arith.constant 0 : index
    %get3A_38 = vector.load %arg7[%get3A_36, %get3A_37] : memref<1x1024xf32, #tpu.memory_space<vmem>>, vector<1x1024xf32>
    %slice3A = vector.extract_strided_slice %mul3A_32 {offsets = [0, 0], sizes = [1024, 32], strides = [1, 1]} : vector<1024x256xf32> to vector<1024x32xf32>
    %dot_general3A_39 = arith.constant dense<0.000000e+00> : vector<1024x1024xf32>
    %dot_general3A_40 = tpu.matmul %slice3A, %get3A_35, %dot_general3A_39 {dimension_numbers = #tpu.dot_dimension_numbers<[1], [0], [0], [1], [0, 0, 1, 1], [], []>, transpose_lhs_hint = false} : vector<1024x32xf32>, vector<32x1024xf32>, vector<1024x1024xf32> -> vector<1024x1024xf32>
    %mul3A_41 = arith.constant 2.000000e+00 : f32
    %mul3A_42 = vector.broadcast %mul3A_41 : f32 to vector<1024x1024xf32>
    %mul3A_43 = arith.mulf %mul3A_42, %dot_general3A_40 : vector<1024x1024xf32>
    %sub3A_44 = vector.broadcast %get3A_38 : vector<1x1024xf32> to vector<1024x1024xf32>
    %sub3A_45 = arith.subf %sub3A_44, %mul3A_43 : vector<1024x1024xf32>
    %slice3A_46 = vector.extract_strided_slice %mul3A_32 {offsets = [0, 32], sizes = [1024, 32], strides = [1, 1]} : vector<1024x256xf32> to vector<1024x32xf32>
    %dot_general3A_47 = arith.constant dense<0.000000e+00> : vector<1024x1024xf32>
    %dot_general3A_48 = tpu.matmul %slice3A_46, %get3A_35, %dot_general3A_47 {dimension_numbers = #tpu.dot_dimension_numbers<[1], [0], [0], [1], [0, 0, 1, 1], [], []>, transpose_lhs_hint = false} : vector<1024x32xf32>, vector<32x1024xf32>, vector<1024x1024xf32> -> vector<1024x1024xf32>
    %mul3A_49 = arith.constant 2.000000e+00 : f32
    %mul3A_50 = vector.broadcast %mul3A_49 : f32 to vector<1024x1024xf32>
    %mul3A_51 = arith.mulf %mul3A_50, %dot_general3A_48 : vector<1024x1024xf32>
    %sub3A_52 = vector.broadcast %get3A_38 : vector<1x1024xf32> to vector<1024x1024xf32>
    %sub3A_53 = arith.subf %sub3A_52, %mul3A_51 : vector<1024x1024xf32>
    %slice3A_54 = vector.extract_strided_slice %mul3A_32 {offsets = [0, 64], sizes = [1024, 32], strides = [1, 1]} : vector<1024x256xf32> to vector<1024x32xf32>
    %dot_general3A_55 = arith.constant dense<0.000000e+00> : vector<1024x1024xf32>
    %dot_general3A_56 = tpu.matmul %slice3A_54, %get3A_35, %dot_general3A_55 {dimension_numbers = #tpu.dot_dimension_numbers<[1], [0], [0], [1], [0, 0, 1, 1], [], []>, transpose_lhs_hint = false} : vector<1024x32xf32>, vector<32x1024xf32>, vector<1024x1024xf32> -> vector<1024x1024xf32>
    %mul3A_57 = arith.constant 2.000000e+00 : f32
    %mul3A_58 = vector.broadcast %mul3A_57 : f32 to vector<1024x1024xf32>
    %mul3A_59 = arith.mulf %mul3A_58, %dot_general3A_56 : vector<1024x1024xf32>
    %sub3A_60 = vector.broadcast %get3A_38 : vector<1x1024xf32> to vector<1024x1024xf32>
    %sub3A_61 = arith.subf %sub3A_60, %mul3A_59 : vector<1024x1024xf32>
    %slice3A_62 = vector.extract_strided_slice %mul3A_32 {offsets = [0, 96], sizes = [1024, 32], strides = [1, 1]} : vector<1024x256xf32> to vector<1024x32xf32>
    %dot_general3A_63 = arith.constant dense<0.000000e+00> : vector<1024x1024xf32>
    %dot_general3A_64 = tpu.matmul %slice3A_62, %get3A_35, %dot_general3A_63 {dimension_numbers = #tpu.dot_dimension_numbers<[1], [0], [0], [1], [0, 0, 1, 1], [], []>, transpose_lhs_hint = false} : vector<1024x32xf32>, vector<32x1024xf32>, vector<1024x1024xf32> -> vector<1024x1024xf32>
    %mul3A_65 = arith.constant 2.000000e+00 : f32
    %mul3A_66 = vector.broadcast %mul3A_65 : f32 to vector<1024x1024xf32>
    %mul3A_67 = arith.mulf %mul3A_66, %dot_general3A_64 : vector<1024x1024xf32>
    %sub3A_68 = vector.broadcast %get3A_38 : vector<1x1024xf32> to vector<1024x1024xf32>
    %sub3A_69 = arith.subf %sub3A_68, %mul3A_67 : vector<1024x1024xf32>
    %slice3A_70 = vector.extract_strided_slice %mul3A_32 {offsets = [0, 128], sizes = [1024, 32], strides = [1, 1]} : vector<1024x256xf32> to vector<1024x32xf32>
    %dot_general3A_71 = arith.constant dense<0.000000e+00> : vector<1024x1024xf32>
    %dot_general3A_72 = tpu.matmul %slice3A_70, %get3A_35, %dot_general3A_71 {dimension_numbers = #tpu.dot_dimension_numbers<[1], [0], [0], [1], [0, 0, 1, 1], [], []>, transpose_lhs_hint = false} : vector<1024x32xf32>, vector<32x1024xf32>, vector<1024x1024xf32> -> vector<1024x1024xf32>
    %mul3A_73 = arith.constant 2.000000e+00 : f32
    %mul3A_74 = vector.broadcast %mul3A_73 : f32 to vector<1024x1024xf32>
    %mul3A_75 = arith.mulf %mul3A_74, %dot_general3A_72 : vector<1024x1024xf32>
    %sub3A_76 = vector.broadcast %get3A_38 : vector<1x1024xf32> to vector<1024x1024xf32>
    %sub3A_77 = arith.subf %sub3A_76, %mul3A_75 : vector<1024x1024xf32>
    %slice3A_78 = vector.extract_strided_slice %mul3A_32 {offsets = [0, 160], sizes = [1024, 32], strides = [1, 1]} : vector<1024x256xf32> to vector<1024x32xf32>
    %dot_general3A_79 = arith.constant dense<0.000000e+00> : vector<1024x1024xf32>
    %dot_general3A_80 = tpu.matmul %slice3A_78, %get3A_35, %dot_general3A_79 {dimension_numbers = #tpu.dot_dimension_numbers<[1], [0], [0], [1], [0, 0, 1, 1], [], []>, transpose_lhs_hint = false} : vector<1024x32xf32>, vector<32x1024xf32>, vector<1024x1024xf32> -> vector<1024x1024xf32>
    %mul3A_81 = arith.constant 2.000000e+00 : f32
    %mul3A_82 = vector.broadcast %mul3A_81 : f32 to vector<1024x1024xf32>
    %mul3A_83 = arith.mulf %mul3A_82, %dot_general3A_80 : vector<1024x1024xf32>
    %sub3A_84 = vector.broadcast %get3A_38 : vector<1x1024xf32> to vector<1024x1024xf32>
    %sub3A_85 = arith.subf %sub3A_84, %mul3A_83 : vector<1024x1024xf32>
    %slice3A_86 = vector.extract_strided_slice %mul3A_32 {offsets = [0, 192], sizes = [1024, 32], strides = [1, 1]} : vector<1024x256xf32> to vector<1024x32xf32>
    %dot_general3A_87 = arith.constant dense<0.000000e+00> : vector<1024x1024xf32>
    %dot_general3A_88 = tpu.matmul %slice3A_86, %get3A_35, %dot_general3A_87 {dimension_numbers = #tpu.dot_dimension_numbers<[1], [0], [0], [1], [0, 0, 1, 1], [], []>, transpose_lhs_hint = false} : vector<1024x32xf32>, vector<32x1024xf32>, vector<1024x1024xf32> -> vector<1024x1024xf32>
    %mul3A_89 = arith.constant 2.000000e+00 : f32
    %mul3A_90 = vector.broadcast %mul3A_89 : f32 to vector<1024x1024xf32>
    %mul3A_91 = arith.mulf %mul3A_90, %dot_general3A_88 : vector<1024x1024xf32>
    %sub3A_92 = vector.broadcast %get3A_38 : vector<1x1024xf32> to vector<1024x1024xf32>
    %sub3A_93 = arith.subf %sub3A_92, %mul3A_91 : vector<1024x1024xf32>
    %slice3A_94 = vector.extract_strided_slice %mul3A_32 {offsets = [0, 224], sizes = [1024, 32], strides = [1, 1]} : vector<1024x256xf32> to vector<1024x32xf32>
    %dot_general3A_95 = arith.constant dense<0.000000e+00> : vector<1024x1024xf32>
    %dot_general3A_96 = tpu.matmul %slice3A_94, %get3A_35, %dot_general3A_95 {dimension_numbers = #tpu.dot_dimension_numbers<[1], [0], [0], [1], [0, 0, 1, 1], [], []>, transpose_lhs_hint = false} : vector<1024x32xf32>, vector<32x1024xf32>, vector<1024x1024xf32> -> vector<1024x1024xf32>
    %mul3A_97 = arith.constant 2.000000e+00 : f32
    %mul3A_98 = vector.broadcast %mul3A_97 : f32 to vector<1024x1024xf32>
    %mul3A_99 = arith.mulf %mul3A_98, %dot_general3A_96 : vector<1024x1024xf32>
    %sub3A_100 = vector.broadcast %get3A_38 : vector<1x1024xf32> to vector<1024x1024xf32>
    %sub3A_101 = arith.subf %sub3A_100, %mul3A_99 : vector<1024x1024xf32>
    %reduce_min3A = arith.constant dense<0x7F800000> : vector<1024xf32>
    %reduce_min3A_102 = vector.multi_reduction <minimumf>, %sub3A_45, %reduce_min3A [1] : vector<1024x1024xf32> to vector<1024xf32>
    %broadcast_in_dim3A = vector.shape_cast %reduce_min3A_102 : vector<1024xf32> to vector<1024x1xf32>
    %reduce_min3A_103 = arith.constant dense<0x7F800000> : vector<1024xf32>
    %reduce_min3A_104 = vector.multi_reduction <minimumf>, %sub3A_53, %reduce_min3A_103 [1] : vector<1024x1024xf32> to vector<1024xf32>
    %broadcast_in_dim3A_105 = vector.shape_cast %reduce_min3A_104 : vector<1024xf32> to vector<1024x1xf32>
    %reduce_min3A_106 = arith.constant dense<0x7F800000> : vector<1024xf32>
    %reduce_min3A_107 = vector.multi_reduction <minimumf>, %sub3A_61, %reduce_min3A_106 [1] : vector<1024x1024xf32> to vector<1024xf32>
    %broadcast_in_dim3A_108 = vector.shape_cast %reduce_min3A_107 : vector<1024xf32> to vector<1024x1xf32>
    %reduce_min3A_109 = arith.constant dense<0x7F800000> : vector<1024xf32>
    %reduce_min3A_110 = vector.multi_reduction <minimumf>, %sub3A_69, %reduce_min3A_109 [1] : vector<1024x1024xf32> to vector<1024xf32>
    %broadcast_in_dim3A_111 = vector.shape_cast %reduce_min3A_110 : vector<1024xf32> to vector<1024x1xf32>
    %reduce_min3A_112 = arith.constant dense<0x7F800000> : vector<1024xf32>
    %reduce_min3A_113 = vector.multi_reduction <minimumf>, %sub3A_77, %reduce_min3A_112 [1] : vector<1024x1024xf32> to vector<1024xf32>
    %broadcast_in_dim3A_114 = vector.shape_cast %reduce_min3A_113 : vector<1024xf32> to vector<1024x1xf32>
    %reduce_min3A_115 = arith.constant dense<0x7F800000> : vector<1024xf32>
    %reduce_min3A_116 = vector.multi_reduction <minimumf>, %sub3A_85, %reduce_min3A_115 [1] : vector<1024x1024xf32> to vector<1024xf32>
    %broadcast_in_dim3A_117 = vector.shape_cast %reduce_min3A_116 : vector<1024xf32> to vector<1024x1xf32>
    %reduce_min3A_118 = arith.constant dense<0x7F800000> : vector<1024xf32>
    %reduce_min3A_119 = vector.multi_reduction <minimumf>, %sub3A_93, %reduce_min3A_118 [1] : vector<1024x1024xf32> to vector<1024xf32>
    %broadcast_in_dim3A_120 = vector.shape_cast %reduce_min3A_119 : vector<1024xf32> to vector<1024x1xf32>
    %reduce_min3A_121 = arith.constant dense<0x7F800000> : vector<1024xf32>
    %reduce_min3A_122 = vector.multi_reduction <minimumf>, %sub3A_101, %reduce_min3A_121 [1] : vector<1024x1024xf32> to vector<1024xf32>
    %broadcast_in_dim3A_123 = vector.shape_cast %reduce_min3A_122 : vector<1024xf32> to vector<1024x1xf32>
    %iota3A = tpu.iota {dimensions = array<i32: 1>} : vector<1024x1024xi32>
    %le3A = vector.broadcast %broadcast_in_dim3A : vector<1024x1xf32> to vector<1024x1024xf32>
    %le3A_124 = arith.cmpf ole, %sub3A_45, %le3A : vector<1024x1024xf32>
    %jit3A = arith.constant 1024 : i32
    %broadcast_in_dim3A_125 = vector.broadcast %jit3A : i32 to vector<1024x1024xi32>
    %select_n3A = arith.select %le3A_124, %iota3A, %broadcast_in_dim3A_125 : vector<1024x1024xi1>, vector<1024x1024xi32>
    %reduce_min3A_126 = arith.constant dense<2147483647> : vector<1024xi32>
    %reduce_min3A_127 = vector.multi_reduction <minsi>, %select_n3A, %reduce_min3A_126 [1] : vector<1024x1024xi32> to vector<1024xi32>
    %broadcast_in_dim3A_128 = vector.shape_cast %reduce_min3A_127 : vector<1024xi32> to vector<1024x1xi32>
    %le3A_129 = vector.broadcast %broadcast_in_dim3A_105 : vector<1024x1xf32> to vector<1024x1024xf32>
    %le3A_130 = arith.cmpf ole, %sub3A_53, %le3A_129 : vector<1024x1024xf32>
    %jit3A_131 = arith.constant 1024 : i32
    %broadcast_in_dim3A_132 = vector.broadcast %jit3A_131 : i32 to vector<1024x1024xi32>
    %select_n3A_133 = arith.select %le3A_130, %iota3A, %broadcast_in_dim3A_132 : vector<1024x1024xi1>, vector<1024x1024xi32>
    %reduce_min3A_134 = arith.constant dense<2147483647> : vector<1024xi32>
    %reduce_min3A_135 = vector.multi_reduction <minsi>, %select_n3A_133, %reduce_min3A_134 [1] : vector<1024x1024xi32> to vector<1024xi32>
    %broadcast_in_dim3A_136 = vector.shape_cast %reduce_min3A_135 : vector<1024xi32> to vector<1024x1xi32>
    %le3A_137 = vector.broadcast %broadcast_in_dim3A_108 : vector<1024x1xf32> to vector<1024x1024xf32>
    %le3A_138 = arith.cmpf ole, %sub3A_61, %le3A_137 : vector<1024x1024xf32>
    %jit3A_139 = arith.constant 1024 : i32
    %broadcast_in_dim3A_140 = vector.broadcast %jit3A_139 : i32 to vector<1024x1024xi32>
    %select_n3A_141 = arith.select %le3A_138, %iota3A, %broadcast_in_dim3A_140 : vector<1024x1024xi1>, vector<1024x1024xi32>
    %reduce_min3A_142 = arith.constant dense<2147483647> : vector<1024xi32>
    %reduce_min3A_143 = vector.multi_reduction <minsi>, %select_n3A_141, %reduce_min3A_142 [1] : vector<1024x1024xi32> to vector<1024xi32>
    %broadcast_in_dim3A_144 = vector.shape_cast %reduce_min3A_143 : vector<1024xi32> to vector<1024x1xi32>
    %le3A_145 = vector.broadcast %broadcast_in_dim3A_111 : vector<1024x1xf32> to vector<1024x1024xf32>
    %le3A_146 = arith.cmpf ole, %sub3A_69, %le3A_145 : vector<1024x1024xf32>
    %jit3A_147 = arith.constant 1024 : i32
    %broadcast_in_dim3A_148 = vector.broadcast %jit3A_147 : i32 to vector<1024x1024xi32>
    %select_n3A_149 = arith.select %le3A_146, %iota3A, %broadcast_in_dim3A_148 : vector<1024x1024xi1>, vector<1024x1024xi32>
    %reduce_min3A_150 = arith.constant dense<2147483647> : vector<1024xi32>
    %reduce_min3A_151 = vector.multi_reduction <minsi>, %select_n3A_149, %reduce_min3A_150 [1] : vector<1024x1024xi32> to vector<1024xi32>
    %broadcast_in_dim3A_152 = vector.shape_cast %reduce_min3A_151 : vector<1024xi32> to vector<1024x1xi32>
    %le3A_153 = vector.broadcast %broadcast_in_dim3A_114 : vector<1024x1xf32> to vector<1024x1024xf32>
    %le3A_154 = arith.cmpf ole, %sub3A_77, %le3A_153 : vector<1024x1024xf32>
    %jit3A_155 = arith.constant 1024 : i32
    %broadcast_in_dim3A_156 = vector.broadcast %jit3A_155 : i32 to vector<1024x1024xi32>
    %select_n3A_157 = arith.select %le3A_154, %iota3A, %broadcast_in_dim3A_156 : vector<1024x1024xi1>, vector<1024x1024xi32>
    %reduce_min3A_158 = arith.constant dense<2147483647> : vector<1024xi32>
    %reduce_min3A_159 = vector.multi_reduction <minsi>, %select_n3A_157, %reduce_min3A_158 [1] : vector<1024x1024xi32> to vector<1024xi32>
    %broadcast_in_dim3A_160 = vector.shape_cast %reduce_min3A_159 : vector<1024xi32> to vector<1024x1xi32>
    %le3A_161 = vector.broadcast %broadcast_in_dim3A_117 : vector<1024x1xf32> to vector<1024x1024xf32>
    %le3A_162 = arith.cmpf ole, %sub3A_85, %le3A_161 : vector<1024x1024xf32>
    %jit3A_163 = arith.constant 1024 : i32
    %broadcast_in_dim3A_164 = vector.broadcast %jit3A_163 : i32 to vector<1024x1024xi32>
    %select_n3A_165 = arith.select %le3A_162, %iota3A, %broadcast_in_dim3A_164 : vector<1024x1024xi1>, vector<1024x1024xi32>
    %reduce_min3A_166 = arith.constant dense<2147483647> : vector<1024xi32>
    %reduce_min3A_167 = vector.multi_reduction <minsi>, %select_n3A_165, %reduce_min3A_166 [1] : vector<1024x1024xi32> to vector<1024xi32>
    %broadcast_in_dim3A_168 = vector.shape_cast %reduce_min3A_167 : vector<1024xi32> to vector<1024x1xi32>
    %le3A_169 = vector.broadcast %broadcast_in_dim3A_120 : vector<1024x1xf32> to vector<1024x1024xf32>
    %le3A_170 = arith.cmpf ole, %sub3A_93, %le3A_169 : vector<1024x1024xf32>
    %jit3A_171 = arith.constant 1024 : i32
    %broadcast_in_dim3A_172 = vector.broadcast %jit3A_171 : i32 to vector<1024x1024xi32>
    %select_n3A_173 = arith.select %le3A_170, %iota3A, %broadcast_in_dim3A_172 : vector<1024x1024xi1>, vector<1024x1024xi32>
    %reduce_min3A_174 = arith.constant dense<2147483647> : vector<1024xi32>
    %reduce_min3A_175 = vector.multi_reduction <minsi>, %select_n3A_173, %reduce_min3A_174 [1] : vector<1024x1024xi32> to vector<1024xi32>
    %broadcast_in_dim3A_176 = vector.shape_cast %reduce_min3A_175 : vector<1024xi32> to vector<1024x1xi32>
    %le3A_177 = vector.broadcast %broadcast_in_dim3A_123 : vector<1024x1xf32> to vector<1024x1024xf32>
    %le3A_178 = arith.cmpf ole, %sub3A_101, %le3A_177 : vector<1024x1024xf32>
    %jit3A_179 = arith.constant 1024 : i32
    %broadcast_in_dim3A_180 = vector.broadcast %jit3A_179 : i32 to vector<1024x1024xi32>
    %select_n3A_181 = arith.select %le3A_178, %iota3A, %broadcast_in_dim3A_180 : vector<1024x1024xi1>, vector<1024x1024xi32>
    %reduce_min3A_182 = arith.constant dense<2147483647> : vector<1024xi32>
    %reduce_min3A_183 = vector.multi_reduction <minsi>, %select_n3A_181, %reduce_min3A_182 [1] : vector<1024x1024xi32> to vector<1024xi32>
    %broadcast_in_dim3A_184 = vector.shape_cast %reduce_min3A_183 : vector<1024xi32> to vector<1024x1xi32>
    %concatenate3A = tpu.concatenate %broadcast_in_dim3A_128, %broadcast_in_dim3A_136, %broadcast_in_dim3A_144, %broadcast_in_dim3A_152, %broadcast_in_dim3A_160, %broadcast_in_dim3A_168, %broadcast_in_dim3A_176, %broadcast_in_dim3A_184 in 1 : vector<1024x1xi32>, vector<1024x1xi32>, vector<1024x1xi32>, vector<1024x1xi32>, vector<1024x1xi32>, vector<1024x1xi32>, vector<1024x1xi32>, vector<1024x1xi32> -> vector<1024x8xi32>
    %swap3A = arith.constant 0 : index
    %swap3A_185 = arith.constant 0 : index
    %swap3A_186 = vector.load %arg9[%swap3A, %swap3A_185] : memref<1024x8xi32, #tpu.memory_space<vmem>>, vector<1024x8xi32>
    tpu.vector_store %arg9[%swap3A, %swap3A_185], %concatenate3A {strides = array<i32>} : memref<1024x8xi32, #tpu.memory_space<vmem>>, vector<1024x8xi32>,
    return
  }
  func.func @transform_0(%arg0: i32) -> (i32, i32) {
    %c0_i32 = arith.constant 0 : i32
    %c0_i32_0 = arith.constant 0 : i32
    return %arg0, %c0_i32 : i32, i32
  }
  func.func @transform_1(%arg0: i32) -> (i32, i32) {
    %c0_i32 = arith.constant 0 : i32
    %c0_i32_0 = arith.constant 0 : i32
    %c0_i32_1 = arith.constant 0 : i32
    return %c0_i32, %c0_i32_0 : i32, i32
  }
  func.func @transform_2(%arg0: i32) -> (i32, i32) {
    %c0_i32 = arith.constant 0 : i32
    %c0_i32_0 = arith.constant 0 : i32
    %c0_i32_1 = arith.constant 0 : i32
    return %c0_i32, %c0_i32_0 : i32, i32
  }
  func.func @transform_3(%arg0: i32) -> (i32, i32) {
    %c0_i32 = arith.constant 0 : i32
    %c0_i32_0 = arith.constant 0 : i32
    %c0_i32_1 = arith.constant 0 : i32
    return %c0_i32, %c0_i32_0 : i32, i32
  }
  func.func @transform_4(%arg0: i32) -> (i32, i32) {
    %c0_i32 = arith.constant 0 : i32
    %c0_i32_0 = arith.constant 0 : i32
    %c0_i32_1 = arith.constant 0 : i32
    return %c0_i32, %c0_i32_0 : i32, i32
  }
  func.func @transform_5(%arg0: i32) -> (i32, i32) {
    %c0_i32 = arith.constant 0 : i32
    %c0_i32_0 = arith.constant 0 : i32
    %c0_i32_1 = arith.constant 0 : i32
    return %c0_i32, %c0_i32_0 : i32, i32
  }
  func.func @transform_6(%arg0: i32) -> (i32, i32) {
    %c0_i32 = arith.constant 0 : i32
    %c0_i32_0 = arith.constant 0 : i32
    %c0_i32_1 = arith.constant 0 : i32
    return %c0_i32, %c0_i32_0 : i32, i32
  }
  func.func @transform_7(%arg0: i32) -> (i32, i32) {
    %c0_i32 = arith.constant 0 : i32
    %c0_i32_0 = arith.constant 0 : i32
    %c0_i32_1 = arith.constant 0 : i32
    return %c0_i32, %c0_i32_0 : i32, i32
  }
  func.func @transform_8(%arg0: i32) -> (i32, i32) {
    %c0_i32 = arith.constant 0 : i32
    %c0_i32_0 = arith.constant 0 : i32
    return %arg0, %c0_i32 : i32, i32
  }
}

module attributes {stable_mosaic.version = 14 : i64} {
  func.func @_decode_kernel(%arg0: i32, %arg1: memref<1024x256xf32, #tpu.memory_space<vmem>>, %arg2: memref<256x256xf32, #tpu.memory_space<vmem>>, %arg3: memref<1x256xf32, #tpu.memory_space<vmem>>, %arg4: memref<256x48xf32, #tpu.memory_space<vmem>>, %arg5: memref<1x48xf32, #tpu.memory_space<vmem>>, %arg6: memref<1024x48xf32, #tpu.memory_space<vmem>>) attributes {dimension_semantics = [#tpu.dimension_semantics<arbitrary>], iteration_bounds = array<i64: 4>, scalar_prefetch = 0 : i64, scratch_operands = 0 : i64, tpu.core_type = #tpu.core_type<tc>, window_params = [{transform_indices = @transform_0, window_bounds = array<i64: 1024, 256>}, {pipeline_mode = #tpu.pipeline_mode<synchronous>, transform_indices = @transform_1, window_bounds = array<i64: 256, 256>}, {pipeline_mode = #tpu.pipeline_mode<synchronous>, transform_indices = @transform_2, window_bounds = array<i64: 1, 256>}, {pipeline_mode = #tpu.pipeline_mode<synchronous>, transform_indices = @transform_3, window_bounds = array<i64: 256, 48>}, {pipeline_mode = #tpu.pipeline_mode<synchronous>, transform_indices = @transform_4, window_bounds = array<i64: 1, 48>}, {transform_indices = @transform_5, window_bounds = array<i64: 1024, 48>}]} {
    %get3A = arith.constant 0 : index
    %get3A_0 = arith.constant 0 : index
    %get3A_1 = vector.load %arg1[%get3A, %get3A_0] : memref<1024x256xf32, #tpu.memory_space<vmem>>, vector<1024x256xf32>
    %get3A_2 = arith.constant 0 : index
    %get3A_3 = arith.constant 0 : index
    %get3A_4 = vector.load %arg2[%get3A_2, %get3A_3] : memref<256x256xf32, #tpu.memory_space<vmem>>, vector<256x256xf32>
    %dot_general3A = arith.constant dense<0.000000e+00> : vector<1024x256xf32>
    %dot_general3A_5 = tpu.matmul %get3A_1, %get3A_4, %dot_general3A {dimension_numbers = #tpu.dot_dimension_numbers<[1], [0], [0], [1], [0, 0, 1, 1], [], []>, transpose_lhs_hint = false} : vector<1024x256xf32>, vector<256x256xf32>, vector<1024x256xf32> -> vector<1024x256xf32>
    %get3A_6 = arith.constant 0 : index
    %get3A_7 = arith.constant 0 : index
    %get3A_8 = vector.load %arg3[%get3A_6, %get3A_7] : memref<1x256xf32, #tpu.memory_space<vmem>>, vector<1x256xf32>
    %add3A = vector.broadcast %get3A_8 : vector<1x256xf32> to vector<1024x256xf32>
    %add3A_9 = arith.addf %dot_general3A_5, %add3A : vector<1024x256xf32>
    %max3A = arith.constant 0.000000e+00 : f32
    %max3A_10 = vector.broadcast %max3A : f32 to vector<1024x256xf32>
    %max3A_11 = arith.maximumf %add3A_9, %max3A_10 : vector<1024x256xf32>
    %get3A_12 = arith.constant 0 : index
    %get3A_13 = arith.constant 0 : index
    %get3A_14 = vector.load %arg4[%get3A_12, %get3A_13] : memref<256x48xf32, #tpu.memory_space<vmem>>, vector<256x48xf32>
    %dot_general3A_15 = arith.constant dense<0.000000e+00> : vector<1024x48xf32>
    %dot_general3A_16 = tpu.matmul %max3A_11, %get3A_14, %dot_general3A_15 {dimension_numbers = #tpu.dot_dimension_numbers<[1], [0], [0], [1], [0, 0, 1, 1], [], []>, transpose_lhs_hint = false} : vector<1024x256xf32>, vector<256x48xf32>, vector<1024x48xf32> -> vector<1024x48xf32>
    %get3A_17 = arith.constant 0 : index
    %get3A_18 = arith.constant 0 : index
    %get3A_19 = vector.load %arg5[%get3A_17, %get3A_18] : memref<1x48xf32, #tpu.memory_space<vmem>>, vector<1x48xf32>
    %add3A_20 = vector.broadcast %get3A_19 : vector<1x48xf32> to vector<1024x48xf32>
    %add3A_21 = arith.addf %dot_general3A_16, %add3A_20 : vector<1024x48xf32>
    %swap3A = arith.constant 0 : index
    %swap3A_22 = arith.constant 0 : index
    %swap3A_23 = vector.load %arg6[%swap3A, %swap3A_22] : memref<1024x48xf32, #tpu.memory_space<vmem>>, vector<1024x48xf32>
    tpu.vector_store %arg6[%swap3A, %swap3A_22], %add3A_21 {strides = array<i32>} : memref<1024x48xf32, #tpu.memory_space<vmem>>, vector<1024x48xf32>,
    return
  }
  func.func @transform_0(%arg0: i32) -> (i32, i32) {
    %c0_i32 = arith.constant 0 : i32
    %c0_i32_0 = arith.constant 0 : i32
    return %arg0, %c0_i32 : i32, i32
  }
  func.func @transform_1(%arg0: i32) -> (i32, i32) {
    %c0_i32 = arith.constant 0 : i32
    %c0_i32_0 = arith.constant 0 : i32
    %c0_i32_1 = arith.constant 0 : i32
    return %c0_i32, %c0_i32_0 : i32, i32
  }
  func.func @transform_2(%arg0: i32) -> (i32, i32) {
    %c0_i32 = arith.constant 0 : i32
    %c0_i32_0 = arith.constant 0 : i32
    %c0_i32_1 = arith.constant 0 : i32
    return %c0_i32, %c0_i32_0 : i32, i32
  }
  func.func @transform_3(%arg0: i32) -> (i32, i32) {
    %c0_i32 = arith.constant 0 : i32
    %c0_i32_0 = arith.constant 0 : i32
    %c0_i32_1 = arith.constant 0 : i32
    return %c0_i32, %c0_i32_0 : i32, i32
  }
  func.func @transform_4(%arg0: i32) -> (i32, i32) {
    %c0_i32 = arith.constant 0 : i32
    %c0_i32_0 = arith.constant 0 : i32
    %c0_i32_1 = arith.constant 0 : i32
    return %c0_i32, %c0_i32_0 : i32, i32
  }
  func.func @transform_5(%arg0: i32) -> (i32, i32) {
    %c0_i32 = arith.constant 0 : i32
    %c0_i32_0 = arith.constant 0 : i32
    return %arg0, %c0_i32 : i32, i32
  }
}

</mosaic_0001>

<sc_bundles>
// kernel: _run.5.cloned.1.call-start
scs
__scs_entry_jumppad:
0x0: {  	(pc) =	sbr.rel $0x88, $3  }
0x1: {  	(tag) =	ssettag $0x0;
	lr =	simm.s32 $0x1  }
0x2: {  	[smem:$0x3F97] =	sst lr;
	_ =	strace $0xD0000000  }
0x3: {  	_ = 	snop  }
0x4: {  	_ = 	snop  }
0x5: {  	_ = 	snop  }
0x6: {  	_ = 	snop  }
0x7: {  	_ = 	snop  }
__scs_overlays_trampoline_lowered:
0x8: {  	[smem:$0x3FA6] =	sst s0  }
0x9: {  	[smem:$0x3FA7] =	sst s1  }
0xa: {  	[smem:$0x3FA8] =	sst s2  }
0xb: {  	[smem:$0x3FA9] =	sst s3  }
0xc: {  	[smem:$0x3FAA] =	sst s4  }
0xd: {  	[smem:$0x3FAB] =	sst s5  }
0xe: {  	[smem:$0x3FAC] =	sst s6  }
0xf: {  	[smem:$0x3FAD] =	sst s7  }
0x10: {  	[smem:$0x3FAE] =	sst s8  }
0x11: {  	[smem:$0x3FAF] =	sst s9;
	s0 =	simm.s32 @!p0 $0x0  }
0x12: {  	s1 =	sld [smem:$0x3F95];
	s0 =	simm.s32 @p0 $0x1  }
0x13: {  	[smem:$0x3FB0] =	sst s0;
	s0 =	simm.s32 @!p1 $0x0  }
0x14: {  	s2 =	sld [smem:$0x3F94];
	s0 =	simm.s32 @p1 $0x1  }
0x15: {  	[smem:$0x3FB1] =	sst s0;
	s0 =	simm.s32 @!p2 $0x0  }
0x16: {  	s3 =	sld [smem:$0x3FDB];
	s0 =	simm.s32 @p2 $0x1  }
0x17: {  	s4 =	simm.s32 $0x1BF5;
	[smem:$0x3FB3] =	sst s0  }
0x18: {  	s0 =	sld [smem:$0x3F96];
	_ =	swait.ge [sflag:s4], $0x0  }
0x19: {  	s7 =	sld [smem:$0x3F97]  }
0x1a: {  	s8 =	sadd.s32 $0xFFFFE003, lr  }
0x1b: {  	s9 =	sadd.s32 $0xFFFFFEF7, lr;
	s5 =	simm.s32 $0xFFFFFFFF;
	p2 =	slt.u32 s8, $0xFFFFF086  }
0x1c: {  	p1 =	slt.u32 s9, $0xF7A;
	s5 =	simm.s32 @!p2 $0x0  }
0x1d: {  	s5 =	simm.s32 @p1 $0x1;
	p0 =	seq.s32 s7, s2  }
0x1e: {  	s7 =	smul.u32 @!p0 $0xF7A, s2;
	p2 =	seq.s32 @!p0 s5, $0x0  }
0x1f: {  	s9 =	smul.u32 $0xF7A, s1;
	s8 =	simm.s32 @!p0 $0x1BF5;
	p2 =	por !p2, p0  }
0x20: {  	[sflag:s8] =	ssyncset.s32 @!p0 $0xFFFFF086;
	s6 =	sadd.s32 @!p0 s3, s7;
	s7 =	simm.s32 @!p0 $0x108  }
0x21: {  	s3 =	sadd.s32 s3, s9;
	s6 =	sadd.s32 @!p0 $0x88, s6;
	s7 =	simm.s32 @p2 $0x1082  }
0x22: {  	[simem:s7], [sflag:s8] =	dma.local @!p0 [hbm:s6], $0xF7A  }
0x23: {  	s9 =	sor.u32 $0xD0000000, s2;
	s6 =	simm.s32 $0x108;
	_ =	swait.ge @!p0 [sflag:s8], $0x0  }
0x24: {  	s3 =	sadd.s32 $0x88, s3;
	s6 =	simm.s32 @!p1 $0x1082;
	[sflag:s4] =	ssyncset.s32 $0xFFFFF086  }
0x25: {  	[simem:s6], [sflag:s4] =	dma.local [hbm:s3], $0xF7A  }
0x26: {  	[smem:$0x3F97] =	sst s1;
	(tag) =	ssettag s2;
	_ =	strace s9  }
0x27: {  	s1 =	sld [smem:$0x3FA7]  }
0x28: {  	s2 =	sld [smem:$0x3FA8]  }
0x29: {  	s4 =	sld [smem:$0x3FAA]  }
0x2a: {  	p0 =	seq.s32 s5, $0x0;
	s5 =	sld [smem:$0x3FAB]  }
0x2b: {  	s6 =	sld [smem:$0x3FAC]  }
0x2c: {  	s7 =	sld [smem:$0x3FAD]  }
0x2d: {  	s3 =	simm.s32 $0x108;
	s8 =	sld [smem:$0x3FAE]  }
0x2e: {  	s3 =	simm.s32 @!p0 $0x1082;
	s9 =	sld [smem:$0x3FAF]  }
0x2f: {  	lr =	sadd.s32 s0, s3;
	s0 =	sld [smem:$0x3FA6]  }
0x30: {  	s3 =	sld [smem:$0x3FA9]  }
0x31: {  	[smem:$0x3FB2] =	sst s10  }
0x32: {  	s10 =	sld [smem:$0x3FB0];
	_ =	sdelay $0x3  }
0x33: {  	p0 =	seq.s32 s10, $0x1;
	s10 =	sld [smem:$0x3FB2];
	_ =	sdelay $0x3  }
0x34: {  	[smem:$0x3FB2] =	sst s10  }
0x35: {  	s10 =	sld [smem:$0x3FB1];
	_ =	sdelay $0x3  }
0x36: {  	p1 =	seq.s32 s10, $0x1;
	s10 =	sld [smem:$0x3FB2];
	_ =	sdelay $0x3  }
0x37: {  	[smem:$0x3FB2] =	sst s10  }
0x38: {  	s10 =	sld [smem:$0x3FB3]  }
0x39: {  	_ = 	snop;
	(pc) =	sbr.ind lr, $3  }
0x3a: {  	_ = 	snop  }
0x3b: {  	_ = 	snop  }
0x3c: {  	p2 =	seq.s32 s10, $0x1;
	s10 =	sld [smem:$0x3FB2]  }
0x3d: {  	_ =	shalt  }
0x3e: {  	_ =	shalt  }
0x3f: {  	_ =	shalt  }
0x40: {  	_ =	shalt  }
0x41: {  	_ =	shalt  }
0x42: {  	_ =	shalt  }
0x43: {  	_ =	shalt  }
0x44: {  	_ =	shalt  }
0x45: {  	_ =	shalt  }
0x46: {  	_ =	shalt  }
0x47: {  	_ =	shalt  }
0x48: {  	_ =	shalt  }
0x49: {  	_ =	shalt  }
0x4a: {  	_ =	shalt  }
0x4b: {  	_ =	shalt  }
0x4c: {  	_ =	shalt  }
0x4d: {  	_ =	shalt  }
0x4e: {  	_ =	shalt  }
0x4f: {  	_ =	shalt  }
0x50: {  	_ =	shalt  }
0x51: {  	_ =	shalt  }
0x52: {  	_ =	shalt  }
0x53: {  	_ =	shalt  }
0x54: {  	_ =	shalt  }
0x55: {  	_ =	shalt  }
0x56: {  	_ =	shalt  }
0x57: {  	_ =	shalt  }
0x58: {  	_ =	shalt  }
0x59: {  	_ =	shalt  }
0x5a: {  	_ =	shalt  }
0x5b: {  	_ =	shalt  }
0x5c: {  	_ =	shalt  }
0x5d: {  	_ =	shalt  }
0x5e: {  	_ =	shalt  }
0x5f: {  	_ =	shalt  }
0x60: {  	_ =	shalt  }
0x61: {  	_ =	shalt  }
0x62: {  	_ =	shalt  }
0x63: {  	_ =	shalt  }
0x64: {  	_ =	shalt  }
0x65: {  	_ =	shalt  }
0x66: {  	_ =	shalt  }
0x67: {  	_ =	shalt  }
0x68: {  	_ =	shalt  }
0x69: {  	_ =	shalt  }
0x6a: {  	_ =	shalt  }
0x6b: {  	_ =	shalt  }
0x6c: {  	_ =	shalt  }
0x6d: {  	_ =	shalt  }
0x6e: {  	_ =	shalt  }
0x6f: {  	_ =	shalt  }
0x70: {  	_ =	shalt  }
0x71: {  	_ =	shalt  }
0x72: {  	_ =	shalt  }
0x73: {  	_ =	shalt  }
0x74: {  	_ =	shalt  }
0x75: {  	_ =	shalt  }
0x76: {  	_ =	shalt  }
0x77: {  	_ =	shalt  }
0x78: {  	_ =	shalt  }
0x79: {  	_ =	shalt  }
0x7a: {  	_ =	shalt  }
0x7b: {  	_ =	shalt  }
0x7c: {  	_ =	shalt  }
0x7d: {  	_ =	shalt  }
0x7e: {  	_ =	shalt  }
0x7f: {  	_ =	shalt  }
0x80: {  	_ =	shalt  }
0x81: {  	_ =	shalt  }
0x82: {  	_ =	shalt  }
0x83: {  	_ =	shalt  }
0x84: {  	_ =	shalt  }
0x85: {  	_ =	shalt  }
0x86: {  	_ =	shalt  }
0x87: {  	_ =	shalt  }
.Lfunc_end0:
.L_simem_size_0:
called_computation_lowered:
.L_overlay_start_0:
0x88: {  	s2 =	sld [smem:$0x3FD9]  }
0x89: {  	s3 =	sld [smem:$0x3FFE];
	_ =	sdelay $0x1  }
0x8a: {  	s1 =	srdreg.scid  }
0x8b: {  	s0 =	sand.u32 $0x1, s1  }
0x8c: {  	s14 =	sshll.u32 s0, $0xA;
	s2 =	sadd.s32 s3, s2  }
0x8d: {  	s2 =	sadd.s32 s2, s14  }
0x8e: {  	[smem:$0x3FBE] =	sst s2  }
0x8f: {  	_ = 	snop  }
0x90: {  	s2 =	sld [smem:$0x3FD0];
	_ =	sdelay $0x2  }
0x91: {  	s15 =	simm.s32 $0xA;
	s4 =	simm.s32 $0x10  }
0x92: {  	[smem:s4], [sflag:s15] =	dma.local [hbm:s2], $0x1  }
0x93: {  	_ =	swait.eq [sflag:s15], $0x1  }
0x94: {  	[sflag:s15] =	ssyncset.done $0x0  }
0x95: {  	s16 =	sld [smem:$0x10];
	[sflag:s15] =	ssyncadd.s32 $0xFFFFFFFF  }
0x96: {  	s17 =	sld [smem:$0x11];
	(tm) =	ssettm $0x1  }
0x97: {  	s18 =	sld [smem:$0x3FFB];
	_ =	sdelay $0x3  }
0x98: {  	_ =	strace s18  }
0x99: {  	s4 =	sld [smem:$0x3FFC];
	_ =	sdelay $0x3  }
0x9a: {  	_ =	strace s4  }
0x9b: {  	s4 =	sld [smem:$0x3FFD];
	_ =	sdelay $0x3  }
0x9c: {  	_ =	strace s4  }
0x9d: {  	_ =	strace $0x8FFFFFFF  }
0x9e: {  	s19 =	sld [smem:$0x3FDB];
	_ =	sdelay $0x1  }
0x9f: {  	s5 =	simm.s32 $_scs_section_size  }
0xa0: {  	s6 =	simm.s32 $_size__tile_overlayer_lowered;
	s7 =	simm.s32 $_tile_overlayer_lowered  }
0xa1: {  	s22 =	simm.s32 $0x1BFF;
	s21 =	sshll.u32 s7, $0x1;
	s4 =	sadd.s32 s5, s19  }
0xa2: {  	s8 =	simm.s32 $0x0;
	s20 =	sshll.u32 s6, $0x1;
	s6 =	sadd.s32 s21, s4  }
0xa3: {  	[timem:s8], [sflag:s22] =	dma.local [hbm:s6], s20  }
0xa4: {  	_ =	swait.ge [sflag:s22], s20  }
0xa5: {  	s5 =	ssub.s32 $0x0, s20;
	[sflag:s22] =	ssyncset.done $0x0  }
0xa6: {  	[sflag:s22] =	ssyncadd.s32 s5;
	_ =	sdelay $0x1  }
0xa7: {  	s23 =	simm.s32 $0x1B8B  }
0xa8: {  	_ =	swait.ge [sflag:s23], $0x1  }
0xa9: {  	[sflag:s23] =	ssyncset.done $0x0  }
0xaa: {  	s25 =	simm.s32 $0x1B8E;
	s24 =	sld [smem:$0x3FFE];
	[sflag:s23] =	ssyncadd.s32 $0xFFFFFFFF  }
0xab: {  	s26 =	simm.s32 $execute0_lowered;
	[smem:$0x3FD2] =	sst s25  }
0xac: {  	s6 =	sshll.u32 s26, $0x1;
	_ =	strace $0x80000046;
	[dreg:$0x1] =	wrdreg $0xFFFFFFFF  }
0xad: {  	s28 =	simm.s32 $_size_execute0_lowered;
	s4 =	sadd.s32 s4, s6;
	[dreg:$0x0] =	wrdreg $0x0  }
0xae: {  	s6 =	sshll.u32 s28, $0x1;
	[dreg:$0x2] =	wrdreg s4  }
0xaf: {  	[dreg:$0x3] =	wrdreg s6  }
0xb0: {  	[dreg:$0x4] =	wrdreg $0xC0  }
0xb1: {  	_ =	task [dreg:s8], $0x5FFFF  }
0xb2: {  	[dreg:$0x1] =	wrdreg $0xFFFFFFFF  }
0xb3: {  	[dreg:$0x0] =	wrdreg $0x60  }
0xb4: {  	[dreg:$0x2] =	wrdreg s16  }
0xb5: {  	[dreg:$0x3] =	wrdreg s24  }
0xb6: {  	[dreg:$0x4] =	wrdreg s17  }
0xb7: {  	[dreg:$0x5] =	wrdreg $0x9  }
0xb8: {  	_ =	task.clear_ibuf [dreg:s8], $0x6FFFF;
	_ =	strace $0x90000046  }
0xb9: {  	s29 =	simm.s32 $0x9;
	_ =	strace $0x80000048  }
0xba: {  	_ =	swait.ge [sflag:s29], $0x1  }
0xbb: {  	[sflag:s29] =	ssyncadd.s32 $0xFFFFFFFF  }
0xbc: {  	_ =	strace $0x90000048  }
0xbd: {  	_ =	sfence  }
0xbe: {  	s30 =	sld [smem:$0x0];
	_ =	sdelay $0x2  }
0xbf: {  	s31 =	sshll.u32 s1, $0xD;
	s1 =	sshrl.u32 s1, $0x2  }
0xc0: {  	s3 =	sand.u32 $0x4000, s31;
	s1 =	sadd.s32 s1, s30  }
0xc1: {  	s0 =	sor.u32 s3, s0;
	s1 =	sshll.u32 s1, $0x11  }
0xc2: {  	s0 =	sor.u32 s1, s0  }
0xc3: {  	s0 =	sadd.s32 $0x8F2B, s0  }
0xc4: {  	[sflag:s0] =	ssyncadd.remote.s32 $0x1  }
0xc5: {  	_ =	sfence.sel $0xFFFF  }
0xc6: {  	[dreg:$0x0] =	wrdreg $0xFFFFFFFF;
	(pc) =	sbr.abs _section_cstart, $3  }
0xc7: {  	[dreg:$0x1] =	wrdreg $0xFFFFFFFF  }
0xc8: {  	_ =	task.clear_ibuf [dreg:s8], $0x2FFFF;
	_ =	strace $0x9FFFFFFF  }
0xc9: {  	(tm) =	ssettm $0x7FFFFFFF  }
tec
execute0_lowered:
.L_overlay_start_1:
0x0: {  	(tag) =	ssettag $0x1  }
0x1: {  	s2 =	srdreg.scid  }
0x2: {  	s1 =	rddreg [dreg:$0x0];
	s0 =	stileid.u32;
	s6 =	sand.u32 $0x1, s2  }
0x3: {  	s4 =	rddreg [dreg:$0x1];
	s30 =	sshll.u32 s0, $0xB;
	s3 =	sshll.u32 s6, $0xA  }
0x4: {  	s8 =	rddreg [dreg:$0x2];
	s9 =	sor.u32 s3, s30  }
0x5: {  	s2 =	rddreg [dreg:$0x3];
	s3 =	simm.s32 $0x0;
	s5 =	sshrl.u32 s9, $0x3  }
0x6: {  	s10 =	ssub.s32 $0x2, s6;
	[smem:$0x7FF] =	sst s3;
	s4 =	sadd.s32 s5, s4  }
0x7: {  	_ =	strace $0x80000047;
	s5 =	sadd.s32 $0x1600, s4;
	s4 =	simm.s32 $0x2  }
0x8: {  	[tilespmem:s3], [sflag:$0x2] =	stream.linear.gather [hbm4b:s5+s3], $0x400, $0x38;
	[tilespmem:$0x8400] =	vst v63  }
0x9: {  	s11 =	sshrl.u32 s10, $0x1;
	_ =	swait.ge [sflag:s4], $0x400  }
0xa: {  	s7 =	simm.s32 $0x1;
	s10 =	ssub.s32 s10, s11;
	[sflag:s4] =	ssyncset.done $0x0  }
0xb: {  	s6 =	simm.s32 $0x400;
	s31 =	smax.u32 s10, $0x1;
	[sflag:s4] =	ssyncadd.s32 $0xFFFFFC00  }
0xc: {  	[tilespmem:s6], [sflag:$0x1] =	stream.indirect.gather [hbm4b:s1+s6], $0x20, s3, s6, $0xb8;
	[tilespmem:$0x8400] =	vst v63  }
0xd: {  	p0 =	sne.s32 s31, $0x1;
	_ =	swait.ge [sflag:s7], $0x8000  }
.Ltmp0:
0xe: {  	s9 =	sshll.u32 s9, $0x2;
	[sflag:s7] =	ssyncset.done $0x0;
	(pc) =	sbr.rel @!p0 .LBB2_2-.Ltmp0, $4  }
0xf: {  	s8 =	sadd.s32 s8, s9;
	[sflag:s7] =	ssyncadd.s32 $0xFFFF8000  }
0x10: {  	[hbm4b:s8+s3] =	stream.linear.scatter [tilespmem:s6], [sflag:$0x2], $0x8000, $0x38;
	[tilespmem:$0x8400] =	vst v63  }
0x11: {  	_ =	swait.ge [sflag:s4], $0x8000  }
0x12: {  	s9 =	sadd.s32 $0xFFFFFFFF, s31;
	[sflag:s4] =	ssyncset.done $0x0  }
.LBB2_1:
0x13: {  	p0 =	sne.s32 s9, $0x1;
	s9 =	sadd.s32 $0xFFFFFFFF, s9;
	[sflag:s4] =	ssyncadd.s32 $0xFFFF8000  }
0x14: {  	[tilespmem:s3], [sflag:$0x2] =	stream.linear.gather [hbm4b:s5+s3], $0x400, $0x38;
	[tilespmem:$0x8400] =	vst v63  }
0x15: {  	_ =	swait.ge [sflag:s4], $0x400  }
0x16: {  	[sflag:s4] =	ssyncset.done $0x0  }
0x17: {  	[sflag:s4] =	ssyncadd.s32 $0xFFFFFC00  }
0x18: {  	[tilespmem:s6], [sflag:$0x1] =	stream.indirect.gather [hbm4b:s1+s6], $0x20, s3, s6, $0xb8;
	[tilespmem:$0x8400] =	vst v63  }
0x19: {  	_ =	swait.ge [sflag:s7], $0x8000  }
.Ltmp1:
0x1a: {  	[sflag:s7] =	ssyncset.done $0x0;
	(pc) =	sbr.rel @p0 .LBB2_1-.Ltmp1, $4  }
0x1b: {  	[sflag:s7] =	ssyncadd.s32 $0xFFFF8000  }
0x1c: {  	[hbm4b:s8+s3] =	stream.linear.scatter [tilespmem:s6], [sflag:$0x2], $0x8000, $0x38;
	[tilespmem:$0x8400] =	vst v63  }
0x1d: {  	_ =	swait.ge [sflag:s4], $0x8000  }
0x1e: {  	[sflag:s4] =	ssyncset.done $0x0  }
.LBB2_2:
0x1f: {  	[sflag:s4] =	ssyncadd.s32 $0xFFFF8000  }
0x20: {  	_ =	sfence.sel $0x180000  }
0x21: {  	[bflag:$0x0] =	sbarrier.arrive $0xFFFF  }
0x22: {  	p0 =	sne.s32 s0, $0x0;
	_ =	strace $0x90000047  }
0x23: {  	s0 =	sadd.s32 @!p0 $0x100000, s2;
	[bflag:$0x2] =	sbarrier.arrive $0xFFFF  }
0x24: {  	[sflag:s0] =	ssyncadd.tile.s32 @!p0 $0x1;
	_ =	shalt  }
.Lfunc_end2:
_tile_overlayer_lowered:
.L_overlay_start_2:
0x25: {  	(tag) =	ssettag $0x2  }
0x26: {  	s0 =	rddreg [dreg:$0x0];
	s2 =	stileid.u32  }
0x27: {  	s1 =	rddreg [dreg:$0x1];
	p0 =	sne.s32 s2, $0x0  }
0x28: {  	s3 =	rddreg [dreg:$0x2];
	[bflag:$0x3] =	sbarrier.arrive $0xFFFF;
	s2 =	simm.s32 @!p0 $0x1C02  }
0x29: {  	[timem:s3], [sflag:s2] =	dma.local @!p0 [hbm:s0], s1  }
0x2a: {  	s0 =	simm.s32 @!p0 $0x2  }
0x2b: {  	_ =	swait.ge @!p0 [sflag:s0], s1  }
0x2c: {  	s1 =	ssub.s32 @!p0 $0x0, s1;
	[sflag:s0] =	ssyncset.done @!p0 $0x0  }
0x2d: {  	[sflag:s0] =	ssyncadd.s32 @!p0 s1  }
0x2e: {  	[bflag:$0x3] =	sbarrier.arrive $0xFFFF  }
0x2f: {  	_ =	shalt  }

</sc_bundles>
